<compile_context>
chip_gen: v7x
topology: tpu7x:2x2x1
jax: 0.10.2.dev20260603
libtpu: 0.0.44.dev20260713+nightly
codegen_flags: <defaults>
</compile_context>

<pallas_src>
import functools

import jax
import jax.numpy as jnp
import numpy as _np
from jax import lax
from jax.experimental import pallas as pl
from jax.experimental.pallas import tpu as pltpu
from jax.experimental.pallas import tpu_sc as plsc

_TOTAL = 32768
_MULS = (1, 3, 5, 7)
_PRIMES = (579983, 939997, 669989, 41491)
_BUCKETS = (20000, 20000, 10000, 500)

_NC, _NS, _L = 2, 16, 16
_NW = _NC * _NS
_CHUNK = _TOTAL // _NW
_VECS = _CHUNK // _L


def _recip_down(d):
    r = _np.float32(1.0) / _np.float32(d)
    for _ in range(3):
        r = _np.nextafter(r, _np.float32(0), dtype=_np.float32)
    return float(r)


def _mod_const(n, p):
    q = (n.astype(jnp.float32) * jnp.float32(_recip_down(p))).astype(jnp.int32)
    r = n - q * jnp.int32(p)
    r = jnp.where(r >= jnp.int32(p), r - jnp.int32(p), r)
    return r


@functools.partial(
    pl.kernel,
    mesh=plsc.VectorSubcoreMesh(core_axis_name="c", subcore_axis_name="s"),
    out_type=[jax.ShapeDtypeStruct((_TOTAL,), jnp.int32) for _ in range(4)],
    scratch_types=[pltpu.VMEM((_CHUNK,), jnp.int32)] * 5,
)
def _multi_hash_sc(x_hbm, o0_hbm, o1_hbm, o2_hbm, o3_hbm,
                   xin, b0, b1, b2, b3):
    wid = lax.axis_index("s") * jnp.int32(_NC) + lax.axis_index("c")
    base = wid * jnp.int32(_CHUNK)
    pltpu.sync_copy(x_hbm.at[pl.ds(base, _CHUNK)], xin)
    bufs = (b0, b1, b2, b3)

    def body(i, _):
        sl = pl.ds(i * jnp.int32(_L), _L)
        v = xin[sl]
        for h in range(4):
            n = v * jnp.int32(_MULS[h]) if _MULS[h] != 1 else v
            r = _mod_const(n, _PRIMES[h])
            bufs[h][sl] = _mod_const(r, _BUCKETS[h])
        return 0

    lax.fori_loop(jnp.int32(0), jnp.int32(_VECS), body, 0)

    for h, o_hbm in enumerate((o0_hbm, o1_hbm, o2_hbm, o3_hbm)):
        pltpu.sync_copy(bufs[h], o_hbm.at[pl.ds(base, _CHUNK)])


def kernel(x):
    x32 = x.astype(jnp.int32)
    outs = _multi_hash_sc(x32)
    return tuple(o.astype(x.dtype) for o in outs)

# --- scband reference (transcript-rebuilt; emitter-appended) ---
"""Pipeline reference for scband-idmulti-hash-35459249996269 (READ-ONLY COPY).

The authoritative reference and input builder live on the scoring server;
editing this copy changes nothing except your own understanding.
"""

import jax
jax.config.update('jax_enable_x64', True)
import jax.numpy as jnp
import numpy as np
import math


def _is_prime(x):
    for n in range(int(math.sqrt(x) + 1e-06), 1, -1):
        if x % n == 0:
            return False
    return True


def _find_prime_lower_than(x):
    for n in range(x, 0, -1):
        if _is_prime(n):
            return n
    return 11


NUM_BUCKETS = [20000, 20000, 10000, 500]
MULTI_MULS = [1, 3, 5, 7]
MULTI_MODS = [29, 47, 67, 83]
BUCKET_LENS = len(NUM_BUCKETS)
MULTI_PRIMES = [_find_prime_lower_than(MULTI_MODS[i] * NUM_BUCKETS[i]) for i in range(BUCKET_LENS)]

TOTAL_TOKENS = 32768


def setup_inputs(seed: int = 0) -> dict:
    key = jax.random.key(seed)
    x = jax.random.randint(key, (TOTAL_TOKENS,), 0, 100000000, dtype=jnp.int64)
    return {"x": x}


def reference(x):
    # fused_multi_hash: for each hash head i, compute ((x * mul_i) % prime_i) % num_buckets_i
    muls = jnp.asarray(MULTI_MULS, dtype=jnp.int64)
    primes = jnp.asarray(MULTI_PRIMES, dtype=jnp.int64)
    buckets = jnp.asarray(NUM_BUCKETS, dtype=jnp.int64)
    outs = []
    for i in range(BUCKET_LENS):
        h = jnp.mod(jnp.mod(x * muls[i], primes[i]), buckets[i])
        outs.append(h)
    # corresponds to dict {'multi_hash_0': ..., 'multi_hash_1': ..., ...}
    return tuple(outs)

if __name__ == "__main__":
    import jax
    _d = setup_inputs()
    print(jax.jit(kernel)(*tuple(_d.values())))

</pallas_src>

<mosaic_0001>
#map = affine_map<(d0, d1) -> (0)>
module attributes {stable_mosaic.version = 14 : i64} {
  func.func @_multi_hash_sc(%arg0: i32, %arg1: i32, %arg2: memref<32768xi32, #tpu.memory_space<hbm>>, %arg3: memref<32768xi32, #tpu.memory_space<hbm>>, %arg4: memref<32768xi32, #tpu.memory_space<hbm>>, %arg5: memref<32768xi32, #tpu.memory_space<hbm>>, %arg6: memref<32768xi32, #tpu.memory_space<hbm>>, %arg7: memref<1024xi32, #tpu.memory_space<vmem>>, %arg8: memref<1024xi32, #tpu.memory_space<vmem>>, %arg9: memref<1024xi32, #tpu.memory_space<vmem>>, %arg10: memref<1024xi32, #tpu.memory_space<vmem>>, %arg11: memref<1024xi32, #tpu.memory_space<vmem>>) attributes {dimension_semantics = [#tpu.dimension_semantics<core_parallel>, #tpu.dimension_semantics<subcore_parallel>], iteration_bounds = array<i64: 2, 16>, scalar_prefetch = 0 : i64, scratch_operands = 5 : i64, tpu.core_type = #tpu.core_type<sc_vector_subcore>, window_params = [{transform_indices = #map}, {transform_indices = #map}, {transform_indices = #map}, {transform_indices = #map}, {transform_indices = #map}]} {
    %mul3A = arith.constant 2 : i32
    %mul3A_0 = arith.muli %arg1, %mul3A : i32
    %add3A = arith.addi %mul3A_0, %arg0 : i32
    %mul3A_1 = arith.constant 1024 : i32
    %mul3A_2 = arith.muli %add3A, %mul3A_1 : i32
    "tpu.region"() ({
      %run_scoped3A = tpu.sem_alloc : memref<!tpu.dma_semaphore, #tpu.memory_space<semaphore_mem>>
      %dma_start3A = tpu.memref_slice %arg2[%mul3A_2] : memref<32768xi32, #tpu.memory_space<hbm>> -> memref<1024xi32, #tpu.memory_space<hbm>>
      %dma_start3A_15 = tpu.memref_slice %arg2[%mul3A_2] : memref<32768xi32, #tpu.memory_space<hbm>> -> memref<1024xi32, #tpu.memory_space<hbm>>
      tpu.enqueue_dma source(%dma_start3A_15 : memref<1024xi32, #tpu.memory_space<hbm>>) target(%arg7 : memref<1024xi32, #tpu.memory_space<vmem>>) target_semaphore(%run_scoped3A : memref<!tpu.dma_semaphore, #tpu.memory_space<semaphore_mem>>)
      %dma_wait3A = tpu.memref_slice %arg2[%mul3A_2] : memref<32768xi32, #tpu.memory_space<hbm>> -> memref<1024xi32, #tpu.memory_space<hbm>>
      %dma_wait3A_16 = tpu.memref_slice %arg2[%mul3A_2] : memref<32768xi32, #tpu.memory_space<hbm>> -> memref<1024xi32, #tpu.memory_space<hbm>>
      tpu.wait_dma2 semaphore(%run_scoped3A : memref<!tpu.dma_semaphore, #tpu.memory_space<semaphore_mem>>) src(%dma_wait3A_16 : memref<1024xi32, #tpu.memory_space<hbm>>) dst(%arg7 : memref<1024xi32, #tpu.memory_space<vmem>>)
      tpu.yield
    }) : () -> ()
    %while3A = arith.constant 0 : i32
    %while3A_3 = arith.constant 64 : i32
    %while3A_4 = arith.constant 0 : i64
    %while3A_5 = arith.subi %while3A_3, %while3A : i32
    %while3A_6 = arith.addi %while3A, %while3A_5 : i32
    %while3A_7 = arith.constant 1 : i32
    %while3A_8 = arith.divsi %while3A_5, %while3A_7 : i32
    %while3A_9 = arith.muli %while3A_8, %while3A_7 : i32
    %while3A_10 = arith.addi %while3A, %while3A_9 : i32
    %while3A_11 = arith.constant 1 : i32
    %while3A_12 = scf.for %while3A_15 = %while3A to %while3A_10 step %while3A_11 iter_args(%while3A_16 = %while3A_4) -> (i64)  : i32 {
      %mul3A_17 = arith.constant 16 : i32
      %mul3A_18 = arith.muli %while3A_15, %mul3A_17 : i32
      %get3A = arith.index_cast %mul3A_18 : i32 to index
      %get3A_19 = tpu.vector_load %arg7[%get3A] {strides = array<i32>} : memref<1024xi32, #tpu.memory_space<vmem>>, vector<16xi32>,
      %get3A_20 = vector.shape_cast %get3A_19 : vector<16xi32> to vector<16xi32>
      %convert_element_type3A = arith.sitofp %get3A_20 : vector<16xi32> to vector<16xf32>
      %mul3A_21 = arith.constant 1.72418811E-6 : f32
      %mul3A_22 = vector.broadcast %mul3A_21 : f32 to vector<16xf32>
      %mul3A_23 = arith.mulf %convert_element_type3A, %mul3A_22 : vector<16xf32>
      %convert_element_type3A_24 = arith.fptosi %mul3A_23 : vector<16xf32> to vector<16xi32>
      %mul3A_25 = arith.constant 579983 : i32
      %mul3A_26 = vector.broadcast %mul3A_25 : i32 to vector<16xi32>
      %mul3A_27 = arith.muli %convert_element_type3A_24, %mul3A_26 : vector<16xi32>
      %sub3A = arith.subi %get3A_20, %mul3A_27 : vector<16xi32>
      %ge3A = arith.constant 579983 : i32
      %ge3A_28 = vector.broadcast %ge3A : i32 to vector<16xi32>
      %ge3A_29 = arith.cmpi sge, %sub3A, %ge3A_28 : vector<16xi32>
      %sub3A_30 = arith.constant 579983 : i32
      %sub3A_31 = vector.broadcast %sub3A_30 : i32 to vector<16xi32>
      %sub3A_32 = arith.subi %sub3A, %sub3A_31 : vector<16xi32>
      %select_n3A = arith.select %ge3A_29, %sub3A_32, %sub3A : vector<16xi1>, vector<16xi32>
      %convert_element_type3A_33 = arith.sitofp %select_n3A : vector<16xi32> to vector<16xf32>
      %mul3A_34 = arith.constant 4.99999878E-5 : f32
      %mul3A_35 = vector.broadcast %mul3A_34 : f32 to vector<16xf32>
      %mul3A_36 = arith.mulf %convert_element_type3A_33, %mul3A_35 : vector<16xf32>
      %convert_element_type3A_37 = arith.fptosi %mul3A_36 : vector<16xf32> to vector<16xi32>
      %mul3A_38 = arith.constant 20000 : i32
      %mul3A_39 = vector.broadcast %mul3A_38 : i32 to vector<16xi32>
      %mul3A_40 = arith.muli %convert_element_type3A_37, %mul3A_39 : vector<16xi32>
      %sub3A_41 = arith.subi %select_n3A, %mul3A_40 : vector<16xi32>
      %ge3A_42 = arith.constant 20000 : i32
      %ge3A_43 = vector.broadcast %ge3A_42 : i32 to vector<16xi32>
      %ge3A_44 = arith.cmpi sge, %sub3A_41, %ge3A_43 : vector<16xi32>
      %sub3A_45 = arith.constant 20000 : i32
      %sub3A_46 = vector.broadcast %sub3A_45 : i32 to vector<16xi32>
      %sub3A_47 = arith.subi %sub3A_41, %sub3A_46 : vector<16xi32>
      %select_n3A_48 = arith.select %ge3A_44, %sub3A_47, %sub3A_41 : vector<16xi1>, vector<16xi32>
      %swap3A = arith.index_cast %mul3A_18 : i32 to index
      %swap3A_49 = tpu.vector_load %arg8[%swap3A] {strides = array<i32>} : memref<1024xi32, #tpu.memory_space<vmem>>, vector<16xi32>,
      %swap3A_50 = vector.shape_cast %swap3A_49 : vector<16xi32> to vector<16xi32>
      %swap3A_51 = vector.shape_cast %select_n3A_48 : vector<16xi32> to vector<16xi32>
      tpu.vector_store %arg8[%swap3A], %swap3A_51 {strides = array<i32>} : memref<1024xi32, #tpu.memory_space<vmem>>, vector<16xi32>,
      %mul3A_52 = arith.constant 3 : i32
      %mul3A_53 = vector.broadcast %mul3A_52 : i32 to vector<16xi32>
      %mul3A_54 = arith.muli %get3A_20, %mul3A_53 : vector<16xi32>
      %convert_element_type3A_55 = arith.sitofp %mul3A_54 : vector<16xi32> to vector<16xf32>
      %mul3A_56 = arith.constant 1.06383288E-6 : f32
      %mul3A_57 = vector.broadcast %mul3A_56 : f32 to vector<16xf32>
      %mul3A_58 = arith.mulf %convert_element_type3A_55, %mul3A_57 : vector<16xf32>
      %convert_element_type3A_59 = arith.fptosi %mul3A_58 : vector<16xf32> to vector<16xi32>
      %mul3A_60 = arith.constant 939997 : i32
      %mul3A_61 = vector.broadcast %mul3A_60 : i32 to vector<16xi32>
      %mul3A_62 = arith.muli %convert_element_type3A_59, %mul3A_61 : vector<16xi32>
      %sub3A_63 = arith.subi %mul3A_54, %mul3A_62 : vector<16xi32>
      %ge3A_64 = arith.constant 939997 : i32
      %ge3A_65 = vector.broadcast %ge3A_64 : i32 to vector<16xi32>
      %ge3A_66 = arith.cmpi sge, %sub3A_63, %ge3A_65 : vector<16xi32>
      %sub3A_67 = arith.constant 939997 : i32
      %sub3A_68 = vector.broadcast %sub3A_67 : i32 to vector<16xi32>
      %sub3A_69 = arith.subi %sub3A_63, %sub3A_68 : vector<16xi32>
      %select_n3A_70 = arith.select %ge3A_66, %sub3A_69, %sub3A_63 : vector<16xi1>, vector<16xi32>
      %convert_element_type3A_71 = arith.sitofp %select_n3A_70 : vector<16xi32> to vector<16xf32>
      %mul3A_72 = arith.constant 4.99999878E-5 : f32
      %mul3A_73 = vector.broadcast %mul3A_72 : f32 to vector<16xf32>
      %mul3A_74 = arith.mulf %convert_element_type3A_71, %mul3A_73 : vector<16xf32>
      %convert_element_type3A_75 = arith.fptosi %mul3A_74 : vector<16xf32> to vector<16xi32>
      %mul3A_76 = arith.constant 20000 : i32
      %mul3A_77 = vector.broadcast %mul3A_76 : i32 to vector<16xi32>
      %mul3A_78 = arith.muli %convert_element_type3A_75, %mul3A_77 : vector<16xi32>
      %sub3A_79 = arith.subi %select_n3A_70, %mul3A_78 : vector<16xi32>
      %ge3A_80 = arith.constant 20000 : i32
      %ge3A_81 = vector.broadcast %ge3A_80 : i32 to vector<16xi32>
      %ge3A_82 = arith.cmpi sge, %sub3A_79, %ge3A_81 : vector<16xi32>
      %sub3A_83 = arith.constant 20000 : i32
      %sub3A_84 = vector.broadcast %sub3A_83 : i32 to vector<16xi32>
      %sub3A_85 = arith.subi %sub3A_79, %sub3A_84 : vector<16xi32>
      %select_n3A_86 = arith.select %ge3A_82, %sub3A_85, %sub3A_79 : vector<16xi1>, vector<16xi32>
      %swap3A_87 = arith.index_cast %mul3A_18 : i32 to index
      %swap3A_88 = tpu.vector_load %arg9[%swap3A_87] {strides = array<i32>} : memref<1024xi32, #tpu.memory_space<vmem>>, vector<16xi32>,
      %swap3A_89 = vector.shape_cast %swap3A_88 : vector<16xi32> to vector<16xi32>
      %swap3A_90 = vector.shape_cast %select_n3A_86 : vector<16xi32> to vector<16xi32>
      tpu.vector_store %arg9[%swap3A_87], %swap3A_90 {strides = array<i32>} : memref<1024xi32, #tpu.memory_space<vmem>>, vector<16xi32>,
      %mul3A_91 = arith.constant 5 : i32
      %mul3A_92 = vector.broadcast %mul3A_91 : i32 to vector<16xi32>
      %mul3A_93 = arith.muli %get3A_20, %mul3A_92 : vector<16xi32>
      %convert_element_type3A_94 = arith.sitofp %mul3A_93 : vector<16xi32> to vector<16xf32>
      %mul3A_95 = arith.constant 1.49256152E-6 : f32
      %mul3A_96 = vector.broadcast %mul3A_95 : f32 to vector<16xf32>
      %mul3A_97 = arith.mulf %convert_element_type3A_94, %mul3A_96 : vector<16xf32>
      %convert_element_type3A_98 = arith.fptosi %mul3A_97 : vector<16xf32> to vector<16xi32>
      %mul3A_99 = arith.constant 669989 : i32
      %mul3A_100 = vector.broadcast %mul3A_99 : i32 to vector<16xi32>
      %mul3A_101 = arith.muli %convert_element_type3A_98, %mul3A_100 : vector<16xi32>
      %sub3A_102 = arith.subi %mul3A_93, %mul3A_101 : vector<16xi32>
      %ge3A_103 = arith.constant 669989 : i32
      %ge3A_104 = vector.broadcast %ge3A_103 : i32 to vector<16xi32>
      %ge3A_105 = arith.cmpi sge, %sub3A_102, %ge3A_104 : vector<16xi32>
      %sub3A_106 = arith.constant 669989 : i32
      %sub3A_107 = vector.broadcast %sub3A_106 : i32 to vector<16xi32>
      %sub3A_108 = arith.subi %sub3A_102, %sub3A_107 : vector<16xi32>
      %select_n3A_109 = arith.select %ge3A_105, %sub3A_108, %sub3A_102 : vector<16xi1>, vector<16xi32>
      %convert_element_type3A_110 = arith.sitofp %select_n3A_109 : vector<16xi32> to vector<16xf32>
      %mul3A_111 = arith.constant 9.99999756E-5 : f32
      %mul3A_112 = vector.broadcast %mul3A_111 : f32 to vector<16xf32>
      %mul3A_113 = arith.mulf %convert_element_type3A_110, %mul3A_112 : vector<16xf32>
      %convert_element_type3A_114 = arith.fptosi %mul3A_113 : vector<16xf32> to vector<16xi32>
      %mul3A_115 = arith.constant 10000 : i32
      %mul3A_116 = vector.broadcast %mul3A_115 : i32 to vector<16xi32>
      %mul3A_117 = arith.muli %convert_element_type3A_114, %mul3A_116 : vector<16xi32>
      %sub3A_118 = arith.subi %select_n3A_109, %mul3A_117 : vector<16xi32>
      %ge3A_119 = arith.constant 10000 : i32
      %ge3A_120 = vector.broadcast %ge3A_119 : i32 to vector<16xi32>
      %ge3A_121 = arith.cmpi sge, %sub3A_118, %ge3A_120 : vector<16xi32>
      %sub3A_122 = arith.constant 10000 : i32
      %sub3A_123 = vector.broadcast %sub3A_122 : i32 to vector<16xi32>
      %sub3A_124 = arith.subi %sub3A_118, %sub3A_123 : vector<16xi32>
      %select_n3A_125 = arith.select %ge3A_121, %sub3A_124, %sub3A_118 : vector<16xi1>, vector<16xi32>
      %swap3A_126 = arith.index_cast %mul3A_18 : i32 to index
      %swap3A_127 = tpu.vector_load %arg10[%swap3A_126] {strides = array<i32>} : memref<1024xi32, #tpu.memory_space<vmem>>, vector<16xi32>,
      %swap3A_128 = vector.shape_cast %swap3A_127 : vector<16xi32> to vector<16xi32>
      %swap3A_129 = vector.shape_cast %select_n3A_125 : vector<16xi32> to vector<16xi32>
      tpu.vector_store %arg10[%swap3A_126], %swap3A_129 {strides = array<i32>} : memref<1024xi32, #tpu.memory_space<vmem>>, vector<16xi32>,
      %mul3A_130 = arith.constant 7 : i32
      %mul3A_131 = vector.broadcast %mul3A_130 : i32 to vector<16xi32>
      %mul3A_132 = arith.muli %get3A_20, %mul3A_131 : vector<16xi32>
      %convert_element_type3A_133 = arith.sitofp %mul3A_132 : vector<16xi32> to vector<16xf32>
      %mul3A_134 = arith.constant 2.41016078E-5 : f32
      %mul3A_135 = vector.broadcast %mul3A_134 : f32 to vector<16xf32>
      %mul3A_136 = arith.mulf %convert_element_type3A_133, %mul3A_135 : vector<16xf32>
      %convert_element_type3A_137 = arith.fptosi %mul3A_136 : vector<16xf32> to vector<16xi32>
      %mul3A_138 = arith.constant 41491 : i32
      %mul3A_139 = vector.broadcast %mul3A_138 : i32 to vector<16xi32>
      %mul3A_140 = arith.muli %convert_element_type3A_137, %mul3A_139 : vector<16xi32>
      %sub3A_141 = arith.subi %mul3A_132, %mul3A_140 : vector<16xi32>
      %ge3A_142 = arith.constant 41491 : i32
      %ge3A_143 = vector.broadcast %ge3A_142 : i32 to vector<16xi32>
      %ge3A_144 = arith.cmpi sge, %sub3A_141, %ge3A_143 : vector<16xi32>
      %sub3A_145 = arith.constant 41491 : i32
      %sub3A_146 = vector.broadcast %sub3A_145 : i32 to vector<16xi32>
      %sub3A_147 = arith.subi %sub3A_141, %sub3A_146 : vector<16xi32>
      %select_n3A_148 = arith.select %ge3A_144, %sub3A_147, %sub3A_141 : vector<16xi1>, vector<16xi32>
      %convert_element_type3A_149 = arith.sitofp %select_n3A_148 : vector<16xi32> to vector<16xf32>
      %mul3A_150 = arith.constant 0.0019999994 : f32
      %mul3A_151 = vector.broadcast %mul3A_150 : f32 to vector<16xf32>
      %mul3A_152 = arith.mulf %convert_element_type3A_149, %mul3A_151 : vector<16xf32>
      %convert_element_type3A_153 = arith.fptosi %mul3A_152 : vector<16xf32> to vector<16xi32>
      %mul3A_154 = arith.constant 500 : i32
      %mul3A_155 = vector.broadcast %mul3A_154 : i32 to vector<16xi32>
      %mul3A_156 = arith.muli %convert_element_type3A_153, %mul3A_155 : vector<16xi32>
      %sub3A_157 = arith.subi %select_n3A_148, %mul3A_156 : vector<16xi32>
      %ge3A_158 = arith.constant 500 : i32
      %ge3A_159 = vector.broadcast %ge3A_158 : i32 to vector<16xi32>
      %ge3A_160 = arith.cmpi sge, %sub3A_157, %ge3A_159 : vector<16xi32>
      %sub3A_161 = arith.constant 500 : i32
      %sub3A_162 = vector.broadcast %sub3A_161 : i32 to vector<16xi32>
      %sub3A_163 = arith.subi %sub3A_157, %sub3A_162 : vector<16xi32>
      %select_n3A_164 = arith.select %ge3A_160, %sub3A_163, %sub3A_157 : vector<16xi1>, vector<16xi32>
      %swap3A_165 = arith.index_cast %mul3A_18 : i32 to index
      %swap3A_166 = tpu.vector_load %arg11[%swap3A_165] {strides = array<i32>} : memref<1024xi32, #tpu.memory_space<vmem>>, vector<16xi32>,
      %swap3A_167 = vector.shape_cast %swap3A_166 : vector<16xi32> to vector<16xi32>
      %swap3A_168 = vector.shape_cast %select_n3A_164 : vector<16xi32> to vector<16xi32>
      tpu.vector_store %arg11[%swap3A_165], %swap3A_168 {strides = array<i32>} : memref<1024xi32, #tpu.memory_space<vmem>>, vector<16xi32>,
      %while3A_169 = arith.constant 0 : i64
      scf.yield %while3A_169 : i64
    }
    %while3A_13 = arith.constant 1 : i32
    %while3A_14 = scf.for %while3A_15 = %while3A_10 to %while3A_6 step %while3A_13 iter_args(%while3A_16 = %while3A_12) -> (i64)  : i32 {
      %mul3A_17 = arith.constant 16 : i32
      %mul3A_18 = arith.muli %while3A_15, %mul3A_17 : i32
      %get3A = arith.index_cast %mul3A_18 : i32 to index
      %get3A_19 = tpu.vector_load %arg7[%get3A] {strides = array<i32>} : memref<1024xi32, #tpu.memory_space<vmem>>, vector<16xi32>,
      %get3A_20 = vector.shape_cast %get3A_19 : vector<16xi32> to vector<16xi32>
      %convert_element_type3A = arith.sitofp %get3A_20 : vector<16xi32> to vector<16xf32>
      %mul3A_21 = arith.constant 1.72418811E-6 : f32
      %mul3A_22 = vector.broadcast %mul3A_21 : f32 to vector<16xf32>
      %mul3A_23 = arith.mulf %convert_element_type3A, %mul3A_22 : vector<16xf32>
      %convert_element_type3A_24 = arith.fptosi %mul3A_23 : vector<16xf32> to vector<16xi32>
      %mul3A_25 = arith.constant 579983 : i32
      %mul3A_26 = vector.broadcast %mul3A_25 : i32 to vector<16xi32>
      %mul3A_27 = arith.muli %convert_element_type3A_24, %mul3A_26 : vector<16xi32>
      %sub3A = arith.subi %get3A_20, %mul3A_27 : vector<16xi32>
      %ge3A = arith.constant 579983 : i32
      %ge3A_28 = vector.broadcast %ge3A : i32 to vector<16xi32>
      %ge3A_29 = arith.cmpi sge, %sub3A, %ge3A_28 : vector<16xi32>
      %sub3A_30 = arith.constant 579983 : i32
      %sub3A_31 = vector.broadcast %sub3A_30 : i32 to vector<16xi32>
      %sub3A_32 = arith.subi %sub3A, %sub3A_31 : vector<16xi32>
      %select_n3A = arith.select %ge3A_29, %sub3A_32, %sub3A : vector<16xi1>, vector<16xi32>
      %convert_element_type3A_33 = arith.sitofp %select_n3A : vector<16xi32> to vector<16xf32>
      %mul3A_34 = arith.constant 4.99999878E-5 : f32
      %mul3A_35 = vector.broadcast %mul3A_34 : f32 to vector<16xf32>
      %mul3A_36 = arith.mulf %convert_element_type3A_33, %mul3A_35 : vector<16xf32>
      %convert_element_type3A_37 = arith.fptosi %mul3A_36 : vector<16xf32> to vector<16xi32>
      %mul3A_38 = arith.constant 20000 : i32
      %mul3A_39 = vector.broadcast %mul3A_38 : i32 to vector<16xi32>
      %mul3A_40 = arith.muli %convert_element_type3A_37, %mul3A_39 : vector<16xi32>
      %sub3A_41 = arith.subi %select_n3A, %mul3A_40 : vector<16xi32>
      %ge3A_42 = arith.constant 20000 : i32
      %ge3A_43 = vector.broadcast %ge3A_42 : i32 to vector<16xi32>
      %ge3A_44 = arith.cmpi sge, %sub3A_41, %ge3A_43 : vector<16xi32>
      %sub3A_45 = arith.constant 20000 : i32
      %sub3A_46 = vector.broadcast %sub3A_45 : i32 to vector<16xi32>
      %sub3A_47 = arith.subi %sub3A_41, %sub3A_46 : vector<16xi32>
      %select_n3A_48 = arith.select %ge3A_44, %sub3A_47, %sub3A_41 : vector<16xi1>, vector<16xi32>
      %swap3A = arith.index_cast %mul3A_18 : i32 to index
      %swap3A_49 = tpu.vector_load %arg8[%swap3A] {strides = array<i32>} : memref<1024xi32, #tpu.memory_space<vmem>>, vector<16xi32>,
      %swap3A_50 = vector.shape_cast %swap3A_49 : vector<16xi32> to vector<16xi32>
      %swap3A_51 = vector.shape_cast %select_n3A_48 : vector<16xi32> to vector<16xi32>
      tpu.vector_store %arg8[%swap3A], %swap3A_51 {strides = array<i32>} : memref<1024xi32, #tpu.memory_space<vmem>>, vector<16xi32>,
      %mul3A_52 = arith.constant 3 : i32
      %mul3A_53 = vector.broadcast %mul3A_52 : i32 to vector<16xi32>
      %mul3A_54 = arith.muli %get3A_20, %mul3A_53 : vector<16xi32>
      %convert_element_type3A_55 = arith.sitofp %mul3A_54 : vector<16xi32> to vector<16xf32>
      %mul3A_56 = arith.constant 1.06383288E-6 : f32
      %mul3A_57 = vector.broadcast %mul3A_56 : f32 to vector<16xf32>
      %mul3A_58 = arith.mulf %convert_element_type3A_55, %mul3A_57 : vector<16xf32>
      %convert_element_type3A_59 = arith.fptosi %mul3A_58 : vector<16xf32> to vector<16xi32>
      %mul3A_60 = arith.constant 939997 : i32
      %mul3A_61 = vector.broadcast %mul3A_60 : i32 to vector<16xi32>
      %mul3A_62 = arith.muli %convert_element_type3A_59, %mul3A_61 : vector<16xi32>
      %sub3A_63 = arith.subi %mul3A_54, %mul3A_62 : vector<16xi32>
      %ge3A_64 = arith.constant 939997 : i32
      %ge3A_65 = vector.broadcast %ge3A_64 : i32 to vector<16xi32>
      %ge3A_66 = arith.cmpi sge, %sub3A_63, %ge3A_65 : vector<16xi32>
      %sub3A_67 = arith.constant 939997 : i32
      %sub3A_68 = vector.broadcast %sub3A_67 : i32 to vector<16xi32>
      %sub3A_69 = arith.subi %sub3A_63, %sub3A_68 : vector<16xi32>
      %select_n3A_70 = arith.select %ge3A_66, %sub3A_69, %sub3A_63 : vector<16xi1>, vector<16xi32>
      %convert_element_type3A_71 = arith.sitofp %select_n3A_70 : vector<16xi32> to vector<16xf32>
      %mul3A_72 = arith.constant 4.99999878E-5 : f32
      %mul3A_73 = vector.broadcast %mul3A_72 : f32 to vector<16xf32>
      %mul3A_74 = arith.mulf %convert_element_type3A_71, %mul3A_73 : vector<16xf32>
      %convert_element_type3A_75 = arith.fptosi %mul3A_74 : vector<16xf32> to vector<16xi32>
      %mul3A_76 = arith.constant 20000 : i32
      %mul3A_77 = vector.broadcast %mul3A_76 : i32 to vector<16xi32>
      %mul3A_78 = arith.muli %convert_element_type3A_75, %mul3A_77 : vector<16xi32>
      %sub3A_79 = arith.subi %select_n3A_70, %mul3A_78 : vector<16xi32>
      %ge3A_80 = arith.constant 20000 : i32
      %ge3A_81 = vector.broadcast %ge3A_80 : i32 to vector<16xi32>
      %ge3A_82 = arith.cmpi sge, %sub3A_79, %ge3A_81 : vector<16xi32>
      %sub3A_83 = arith.constant 20000 : i32
      %sub3A_84 = vector.broadcast %sub3A_83 : i32 to vector<16xi32>
      %sub3A_85 = arith.subi %sub3A_79, %sub3A_84 : vector<16xi32>
      %select_n3A_86 = arith.select %ge3A_82, %sub3A_85, %sub3A_79 : vector<16xi1>, vector<16xi32>
      %swap3A_87 = arith.index_cast %mul3A_18 : i32 to index
      %swap3A_88 = tpu.vector_load %arg9[%swap3A_87] {strides = array<i32>} : memref<1024xi32, #tpu.memory_space<vmem>>, vector<16xi32>,
      %swap3A_89 = vector.shape_cast %swap3A_88 : vector<16xi32> to vector<16xi32>
      %swap3A_90 = vector.shape_cast %select_n3A_86 : vector<16xi32> to vector<16xi32>
      tpu.vector_store %arg9[%swap3A_87], %swap3A_90 {strides = array<i32>} : memref<1024xi32, #tpu.memory_space<vmem>>, vector<16xi32>,
      %mul3A_91 = arith.constant 5 : i32
      %mul3A_92 = vector.broadcast %mul3A_91 : i32 to vector<16xi32>
      %mul3A_93 = arith.muli %get3A_20, %mul3A_92 : vector<16xi32>
      %convert_element_type3A_94 = arith.sitofp %mul3A_93 : vector<16xi32> to vector<16xf32>
      %mul3A_95 = arith.constant 1.49256152E-6 : f32
      %mul3A_96 = vector.broadcast %mul3A_95 : f32 to vector<16xf32>
      %mul3A_97 = arith.mulf %convert_element_type3A_94, %mul3A_96 : vector<16xf32>
      %convert_element_type3A_98 = arith.fptosi %mul3A_97 : vector<16xf32> to vector<16xi32>
      %mul3A_99 = arith.constant 669989 : i32
      %mul3A_100 = vector.broadcast %mul3A_99 : i32 to vector<16xi32>
      %mul3A_101 = arith.muli %convert_element_type3A_98, %mul3A_100 : vector<16xi32>
      %sub3A_102 = arith.subi %mul3A_93, %mul3A_101 : vector<16xi32>
      %ge3A_103 = arith.constant 669989 : i32
      %ge3A_104 = vector.broadcast %ge3A_103 : i32 to vector<16xi32>
      %ge3A_105 = arith.cmpi sge, %sub3A_102, %ge3A_104 : vector<16xi32>
      %sub3A_106 = arith.constant 669989 : i32
      %sub3A_107 = vector.broadcast %sub3A_106 : i32 to vector<16xi32>
      %sub3A_108 = arith.subi %sub3A_102, %sub3A_107 : vector<16xi32>
      %select_n3A_109 = arith.select %ge3A_105, %sub3A_108, %sub3A_102 : vector<16xi1>, vector<16xi32>
      %convert_element_type3A_110 = arith.sitofp %select_n3A_109 : vector<16xi32> to vector<16xf32>
      %mul3A_111 = arith.constant 9.99999756E-5 : f32
      %mul3A_112 = vector.broadcast %mul3A_111 : f32 to vector<16xf32>
      %mul3A_113 = arith.mulf %convert_element_type3A_110, %mul3A_112 : vector<16xf32>
      %convert_element_type3A_114 = arith.fptosi %mul3A_113 : vector<16xf32> to vector<16xi32>
      %mul3A_115 = arith.constant 10000 : i32
      %mul3A_116 = vector.broadcast %mul3A_115 : i32 to vector<16xi32>
      %mul3A_117 = arith.muli %convert_element_type3A_114, %mul3A_116 : vector<16xi32>
      %sub3A_118 = arith.subi %select_n3A_109, %mul3A_117 : vector<16xi32>
      %ge3A_119 = arith.constant 10000 : i32
      %ge3A_120 = vector.broadcast %ge3A_119 : i32 to vector<16xi32>
      %ge3A_121 = arith.cmpi sge, %sub3A_118, %ge3A_120 : vector<16xi32>
      %sub3A_122 = arith.constant 10000 : i32
      %sub3A_123 = vector.broadcast %sub3A_122 : i32 to vector<16xi32>
      %sub3A_124 = arith.subi %sub3A_118, %sub3A_123 : vector<16xi32>
      %select_n3A_125 = arith.select %ge3A_121, %sub3A_124, %sub3A_118 : vector<16xi1>, vector<16xi32>
      %swap3A_126 = arith.index_cast %mul3A_18 : i32 to index
      %swap3A_127 = tpu.vector_load %arg10[%swap3A_126] {strides = array<i32>} : memref<1024xi32, #tpu.memory_space<vmem>>, vector<16xi32>,
      %swap3A_128 = vector.shape_cast %swap3A_127 : vector<16xi32> to vector<16xi32>
      %swap3A_129 = vector.shape_cast %select_n3A_125 : vector<16xi32> to vector<16xi32>
      tpu.vector_store %arg10[%swap3A_126], %swap3A_129 {strides = array<i32>} : memref<1024xi32, #tpu.memory_space<vmem>>, vector<16xi32>,
      %mul3A_130 = arith.constant 7 : i32
      %mul3A_131 = vector.broadcast %mul3A_130 : i32 to vector<16xi32>
      %mul3A_132 = arith.muli %get3A_20, %mul3A_131 : vector<16xi32>
      %convert_element_type3A_133 = arith.sitofp %mul3A_132 : vector<16xi32> to vector<16xf32>
      %mul3A_134 = arith.constant 2.41016078E-5 : f32
      %mul3A_135 = vector.broadcast %mul3A_134 : f32 to vector<16xf32>
      %mul3A_136 = arith.mulf %convert_element_type3A_133, %mul3A_135 : vector<16xf32>
      %convert_element_type3A_137 = arith.fptosi %mul3A_136 : vector<16xf32> to vector<16xi32>
      %mul3A_138 = arith.constant 41491 : i32
      %mul3A_139 = vector.broadcast %mul3A_138 : i32 to vector<16xi32>
      %mul3A_140 = arith.muli %convert_element_type3A_137, %mul3A_139 : vector<16xi32>
      %sub3A_141 = arith.subi %mul3A_132, %mul3A_140 : vector<16xi32>
      %ge3A_142 = arith.constant 41491 : i32
      %ge3A_143 = vector.broadcast %ge3A_142 : i32 to vector<16xi32>
      %ge3A_144 = arith.cmpi sge, %sub3A_141, %ge3A_143 : vector<16xi32>
      %sub3A_145 = arith.constant 41491 : i32
      %sub3A_146 = vector.broadcast %sub3A_145 : i32 to vector<16xi32>
      %sub3A_147 = arith.subi %sub3A_141, %sub3A_146 : vector<16xi32>
      %select_n3A_148 = arith.select %ge3A_144, %sub3A_147, %sub3A_141 : vector<16xi1>, vector<16xi32>
      %convert_element_type3A_149 = arith.sitofp %select_n3A_148 : vector<16xi32> to vector<16xf32>
      %mul3A_150 = arith.constant 0.0019999994 : f32
      %mul3A_151 = vector.broadcast %mul3A_150 : f32 to vector<16xf32>
      %mul3A_152 = arith.mulf %convert_element_type3A_149, %mul3A_151 : vector<16xf32>
      %convert_element_type3A_153 = arith.fptosi %mul3A_152 : vector<16xf32> to vector<16xi32>
      %mul3A_154 = arith.constant 500 : i32
      %mul3A_155 = vector.broadcast %mul3A_154 : i32 to vector<16xi32>
      %mul3A_156 = arith.muli %convert_element_type3A_153, %mul3A_155 : vector<16xi32>
      %sub3A_157 = arith.subi %select_n3A_148, %mul3A_156 : vector<16xi32>
      %ge3A_158 = arith.constant 500 : i32
      %ge3A_159 = vector.broadcast %ge3A_158 : i32 to vector<16xi32>
      %ge3A_160 = arith.cmpi sge, %sub3A_157, %ge3A_159 : vector<16xi32>
      %sub3A_161 = arith.constant 500 : i32
      %sub3A_162 = vector.broadcast %sub3A_161 : i32 to vector<16xi32>
      %sub3A_163 = arith.subi %sub3A_157, %sub3A_162 : vector<16xi32>
      %select_n3A_164 = arith.select %ge3A_160, %sub3A_163, %sub3A_157 : vector<16xi1>, vector<16xi32>
      %swap3A_165 = arith.index_cast %mul3A_18 : i32 to index
      %swap3A_166 = tpu.vector_load %arg11[%swap3A_165] {strides = array<i32>} : memref<1024xi32, #tpu.memory_space<vmem>>, vector<16xi32>,
      %swap3A_167 = vector.shape_cast %swap3A_166 : vector<16xi32> to vector<16xi32>
      %swap3A_168 = vector.shape_cast %select_n3A_164 : vector<16xi32> to vector<16xi32>
      tpu.vector_store %arg11[%swap3A_165], %swap3A_168 {strides = array<i32>} : memref<1024xi32, #tpu.memory_space<vmem>>, vector<16xi32>,
      %while3A_169 = arith.constant 0 : i64
      scf.yield %while3A_169 : i64
    }
    "tpu.region"() ({
      %run_scoped3A = tpu.sem_alloc : memref<!tpu.dma_semaphore, #tpu.memory_space<semaphore_mem>>
      %dma_start3A = tpu.memref_slice %arg3[%mul3A_2] : memref<32768xi32, #tpu.memory_space<hbm>> -> memref<1024xi32, #tpu.memory_space<hbm>>
      %dma_start3A_15 = tpu.memref_slice %arg3[%mul3A_2] : memref<32768xi32, #tpu.memory_space<hbm>> -> memref<1024xi32, #tpu.memory_space<hbm>>
      tpu.enqueue_dma source(%arg8 : memref<1024xi32, #tpu.memory_space<vmem>>) target(%dma_start3A_15 : memref<1024xi32, #tpu.memory_space<hbm>>) target_semaphore(%run_scoped3A : memref<!tpu.dma_semaphore, #tpu.memory_space<semaphore_mem>>)
      %dma_wait3A = tpu.memref_slice %arg3[%mul3A_2] : memref<32768xi32, #tpu.memory_space<hbm>> -> memref<1024xi32, #tpu.memory_space<hbm>>
      %dma_wait3A_16 = tpu.memref_slice %arg3[%mul3A_2] : memref<32768xi32, #tpu.memory_space<hbm>> -> memref<1024xi32, #tpu.memory_space<hbm>>
      tpu.wait_dma2 semaphore(%run_scoped3A : memref<!tpu.dma_semaphore, #tpu.memory_space<semaphore_mem>>) src(%arg8 : memref<1024xi32, #tpu.memory_space<vmem>>) dst(%dma_wait3A_16 : memref<1024xi32, #tpu.memory_space<hbm>>)
      tpu.yield
    }) : () -> ()
    "tpu.region"() ({
      %run_scoped3A = tpu.sem_alloc : memref<!tpu.dma_semaphore, #tpu.memory_space<semaphore_mem>>
      %dma_start3A = tpu.memref_slice %arg4[%mul3A_2] : memref<32768xi32, #tpu.memory_space<hbm>> -> memref<1024xi32, #tpu.memory_space<hbm>>
      %dma_start3A_15 = tpu.memref_slice %arg4[%mul3A_2] : memref<32768xi32, #tpu.memory_space<hbm>> -> memref<1024xi32, #tpu.memory_space<hbm>>
      tpu.enqueue_dma source(%arg9 : memref<1024xi32, #tpu.memory_space<vmem>>) target(%dma_start3A_15 : memref<1024xi32, #tpu.memory_space<hbm>>) target_semaphore(%run_scoped3A : memref<!tpu.dma_semaphore, #tpu.memory_space<semaphore_mem>>)
      %dma_wait3A = tpu.memref_slice %arg4[%mul3A_2] : memref<32768xi32, #tpu.memory_space<hbm>> -> memref<1024xi32, #tpu.memory_space<hbm>>
      %dma_wait3A_16 = tpu.memref_slice %arg4[%mul3A_2] : memref<32768xi32, #tpu.memory_space<hbm>> -> memref<1024xi32, #tpu.memory_space<hbm>>
      tpu.wait_dma2 semaphore(%run_scoped3A : memref<!tpu.dma_semaphore, #tpu.memory_space<semaphore_mem>>) src(%arg9 : memref<1024xi32, #tpu.memory_space<vmem>>) dst(%dma_wait3A_16 : memref<1024xi32, #tpu.memory_space<hbm>>)
      tpu.yield
    }) : () -> ()
    "tpu.region"() ({
      %run_scoped3A = tpu.sem_alloc : memref<!tpu.dma_semaphore, #tpu.memory_space<semaphore_mem>>
      %dma_start3A = tpu.memref_slice %arg5[%mul3A_2] : memref<32768xi32, #tpu.memory_space<hbm>> -> memref<1024xi32, #tpu.memory_space<hbm>>
      %dma_start3A_15 = tpu.memref_slice %arg5[%mul3A_2] : memref<32768xi32, #tpu.memory_space<hbm>> -> memref<1024xi32, #tpu.memory_space<hbm>>
      tpu.enqueue_dma source(%arg10 : memref<1024xi32, #tpu.memory_space<vmem>>) target(%dma_start3A_15 : memref<1024xi32, #tpu.memory_space<hbm>>) target_semaphore(%run_scoped3A : memref<!tpu.dma_semaphore, #tpu.memory_space<semaphore_mem>>)
      %dma_wait3A = tpu.memref_slice %arg5[%mul3A_2] : memref<32768xi32, #tpu.memory_space<hbm>> -> memref<1024xi32, #tpu.memory_space<hbm>>
      %dma_wait3A_16 = tpu.memref_slice %arg5[%mul3A_2] : memref<32768xi32, #tpu.memory_space<hbm>> -> memref<1024xi32, #tpu.memory_space<hbm>>
      tpu.wait_dma2 semaphore(%run_scoped3A : memref<!tpu.dma_semaphore, #tpu.memory_space<semaphore_mem>>) src(%arg10 : memref<1024xi32, #tpu.memory_space<vmem>>) dst(%dma_wait3A_16 : memref<1024xi32, #tpu.memory_space<hbm>>)
      tpu.yield
    }) : () -> ()
    "tpu.region"() ({
      %run_scoped3A = tpu.sem_alloc : memref<!tpu.dma_semaphore, #tpu.memory_space<semaphore_mem>>
      %dma_start3A = tpu.memref_slice %arg6[%mul3A_2] : memref<32768xi32, #tpu.memory_space<hbm>> -> memref<1024xi32, #tpu.memory_space<hbm>>
      %dma_start3A_15 = tpu.memref_slice %arg6[%mul3A_2] : memref<32768xi32, #tpu.memory_space<hbm>> -> memref<1024xi32, #tpu.memory_space<hbm>>
      tpu.enqueue_dma source(%arg11 : memref<1024xi32, #tpu.memory_space<vmem>>) target(%dma_start3A_15 : memref<1024xi32, #tpu.memory_space<hbm>>) target_semaphore(%run_scoped3A : memref<!tpu.dma_semaphore, #tpu.memory_space<semaphore_mem>>)
      %dma_wait3A = tpu.memref_slice %arg6[%mul3A_2] : memref<32768xi32, #tpu.memory_space<hbm>> -> memref<1024xi32, #tpu.memory_space<hbm>>
      %dma_wait3A_16 = tpu.memref_slice %arg6[%mul3A_2] : memref<32768xi32, #tpu.memory_space<hbm>> -> memref<1024xi32, #tpu.memory_space<hbm>>
      tpu.wait_dma2 semaphore(%run_scoped3A : memref<!tpu.dma_semaphore, #tpu.memory_space<semaphore_mem>>) src(%arg11 : memref<1024xi32, #tpu.memory_space<vmem>>) dst(%dma_wait3A_16 : memref<1024xi32, #tpu.memory_space<hbm>>)
      tpu.yield
    }) : () -> ()
    return
  }
}

</mosaic_0001>

<sc_bundles>
// kernel: kernel.3.cloned.1.call-start
scs
__scs_entry_jumppad:
0x0: {  	(pc) =	sbr.rel $0x88, $3  }
0x1: {  	(tag) =	ssettag $0x0;
	lr =	simm.s32 $0x1  }
0x2: {  	[smem:$0x3FA0] =	sst lr;
	_ =	strace $0xD0000000  }
0x3: {  	_ = 	snop  }
0x4: {  	_ = 	snop  }
0x5: {  	_ = 	snop  }
0x6: {  	_ = 	snop  }
0x7: {  	_ = 	snop  }
__scs_overlays_trampoline_lowered:
0x8: {  	[smem:$0x3FAF] =	sst s0  }
0x9: {  	[smem:$0x3FB0] =	sst s1  }
0xa: {  	[smem:$0x3FB1] =	sst s2  }
0xb: {  	[smem:$0x3FB2] =	sst s3  }
0xc: {  	[smem:$0x3FB3] =	sst s4  }
0xd: {  	[smem:$0x3FB4] =	sst s5  }
0xe: {  	[smem:$0x3FB5] =	sst s6  }
0xf: {  	[smem:$0x3FB6] =	sst s7  }
0x10: {  	[smem:$0x3FB7] =	sst s8  }
0x11: {  	[smem:$0x3FB8] =	sst s9;
	s0 =	simm.s32 @!p0 $0x0  }
0x12: {  	s1 =	sld [smem:$0x3F9E];
	s0 =	simm.s32 @p0 $0x1  }
0x13: {  	[smem:$0x3FB9] =	sst s0;
	s0 =	simm.s32 @!p1 $0x0  }
0x14: {  	s2 =	sld [smem:$0x3F9D];
	s0 =	simm.s32 @p1 $0x1  }
0x15: {  	[smem:$0x3FBA] =	sst s0;
	s0 =	simm.s32 @!p2 $0x0  }
0x16: {  	s3 =	sld [smem:$0x3FDB];
	s0 =	simm.s32 @p2 $0x1  }
0x17: {  	s4 =	simm.s32 $0x1BF5;
	[smem:$0x3FBC] =	sst s0  }
0x18: {  	s0 =	sld [smem:$0x3F9F];
	_ =	swait.ge [sflag:s4], $0x0  }
0x19: {  	s7 =	sld [smem:$0x3FA0]  }
0x1a: {  	s8 =	sadd.s32 $0xFFFFE003, lr  }
0x1b: {  	s9 =	sadd.s32 $0xFFFFFEF7, lr;
	s5 =	simm.s32 $0xFFFFFFFF;
	p2 =	slt.u32 s8, $0xFFFFF086  }
0x1c: {  	p1 =	slt.u32 s9, $0xF7A;
	s5 =	simm.s32 @!p2 $0x0  }
0x1d: {  	s5 =	simm.s32 @p1 $0x1;
	p0 =	seq.s32 s7, s2  }
0x1e: {  	s7 =	smul.u32 @!p0 $0xF7A, s2;
	p2 =	seq.s32 @!p0 s5, $0x0  }
0x1f: {  	s9 =	smul.u32 $0xF7A, s1;
	s8 =	simm.s32 @!p0 $0x1BF5;
	p2 =	por !p2, p0  }
0x20: {  	[sflag:s8] =	ssyncset.s32 @!p0 $0xFFFFF086;
	s6 =	sadd.s32 @!p0 s3, s7;
	s7 =	simm.s32 @!p0 $0x108  }
0x21: {  	s3 =	sadd.s32 s3, s9;
	s6 =	sadd.s32 @!p0 $0x88, s6;
	s7 =	simm.s32 @p2 $0x1082  }
0x22: {  	[simem:s7], [sflag:s8] =	dma.local @!p0 [hbm:s6], $0xF7A  }
0x23: {  	s9 =	sor.u32 $0xD0000000, s2;
	s6 =	simm.s32 $0x108;
	_ =	swait.ge @!p0 [sflag:s8], $0x0  }
0x24: {  	s3 =	sadd.s32 $0x88, s3;
	s6 =	simm.s32 @!p1 $0x1082;
	[sflag:s4] =	ssyncset.s32 $0xFFFFF086  }
0x25: {  	[simem:s6], [sflag:s4] =	dma.local [hbm:s3], $0xF7A  }
0x26: {  	[smem:$0x3FA0] =	sst s1;
	(tag) =	ssettag s2;
	_ =	strace s9  }
0x27: {  	s1 =	sld [smem:$0x3FB0]  }
0x28: {  	s2 =	sld [smem:$0x3FB1]  }
0x29: {  	s4 =	sld [smem:$0x3FB3]  }
0x2a: {  	p0 =	seq.s32 s5, $0x0;
	s5 =	sld [smem:$0x3FB4]  }
0x2b: {  	s6 =	sld [smem:$0x3FB5]  }
0x2c: {  	s7 =	sld [smem:$0x3FB6]  }
0x2d: {  	s3 =	simm.s32 $0x108;
	s8 =	sld [smem:$0x3FB7]  }
0x2e: {  	s3 =	simm.s32 @!p0 $0x1082;
	s9 =	sld [smem:$0x3FB8]  }
0x2f: {  	lr =	sadd.s32 s0, s3;
	s0 =	sld [smem:$0x3FAF]  }
0x30: {  	s3 =	sld [smem:$0x3FB2]  }
0x31: {  	[smem:$0x3FBB] =	sst s10  }
0x32: {  	s10 =	sld [smem:$0x3FB9];
	_ =	sdelay $0x3  }
0x33: {  	p0 =	seq.s32 s10, $0x1;
	s10 =	sld [smem:$0x3FBB];
	_ =	sdelay $0x3  }
0x34: {  	[smem:$0x3FBB] =	sst s10  }
0x35: {  	s10 =	sld [smem:$0x3FBA];
	_ =	sdelay $0x3  }
0x36: {  	p1 =	seq.s32 s10, $0x1;
	s10 =	sld [smem:$0x3FBB];
	_ =	sdelay $0x3  }
0x37: {  	[smem:$0x3FBB] =	sst s10  }
0x38: {  	s10 =	sld [smem:$0x3FBC]  }
0x39: {  	_ = 	snop;
	(pc) =	sbr.ind lr, $3  }
0x3a: {  	_ = 	snop  }
0x3b: {  	_ = 	snop  }
0x3c: {  	p2 =	seq.s32 s10, $0x1;
	s10 =	sld [smem:$0x3FBB]  }
0x3d: {  	_ =	shalt  }
0x3e: {  	_ =	shalt  }
0x3f: {  	_ =	shalt  }
0x40: {  	_ =	shalt  }
0x41: {  	_ =	shalt  }
0x42: {  	_ =	shalt  }
0x43: {  	_ =	shalt  }
0x44: {  	_ =	shalt  }
0x45: {  	_ =	shalt  }
0x46: {  	_ =	shalt  }
0x47: {  	_ =	shalt  }
0x48: {  	_ =	shalt  }
0x49: {  	_ =	shalt  }
0x4a: {  	_ =	shalt  }
0x4b: {  	_ =	shalt  }
0x4c: {  	_ =	shalt  }
0x4d: {  	_ =	shalt  }
0x4e: {  	_ =	shalt  }
0x4f: {  	_ =	shalt  }
0x50: {  	_ =	shalt  }
0x51: {  	_ =	shalt  }
0x52: {  	_ =	shalt  }
0x53: {  	_ =	shalt  }
0x54: {  	_ =	shalt  }
0x55: {  	_ =	shalt  }
0x56: {  	_ =	shalt  }
0x57: {  	_ =	shalt  }
0x58: {  	_ =	shalt  }
0x59: {  	_ =	shalt  }
0x5a: {  	_ =	shalt  }
0x5b: {  	_ =	shalt  }
0x5c: {  	_ =	shalt  }
0x5d: {  	_ =	shalt  }
0x5e: {  	_ =	shalt  }
0x5f: {  	_ =	shalt  }
0x60: {  	_ =	shalt  }
0x61: {  	_ =	shalt  }
0x62: {  	_ =	shalt  }
0x63: {  	_ =	shalt  }
0x64: {  	_ =	shalt  }
0x65: {  	_ =	shalt  }
0x66: {  	_ =	shalt  }
0x67: {  	_ =	shalt  }
0x68: {  	_ =	shalt  }
0x69: {  	_ =	shalt  }
0x6a: {  	_ =	shalt  }
0x6b: {  	_ =	shalt  }
0x6c: {  	_ =	shalt  }
0x6d: {  	_ =	shalt  }
0x6e: {  	_ =	shalt  }
0x6f: {  	_ =	shalt  }
0x70: {  	_ =	shalt  }
0x71: {  	_ =	shalt  }
0x72: {  	_ =	shalt  }
0x73: {  	_ =	shalt  }
0x74: {  	_ =	shalt  }
0x75: {  	_ =	shalt  }
0x76: {  	_ =	shalt  }
0x77: {  	_ =	shalt  }
0x78: {  	_ =	shalt  }
0x79: {  	_ =	shalt  }
0x7a: {  	_ =	shalt  }
0x7b: {  	_ =	shalt  }
0x7c: {  	_ =	shalt  }
0x7d: {  	_ =	shalt  }
0x7e: {  	_ =	shalt  }
0x7f: {  	_ =	shalt  }
0x80: {  	_ =	shalt  }
0x81: {  	_ =	shalt  }
0x82: {  	_ =	shalt  }
0x83: {  	_ =	shalt  }
0x84: {  	_ =	shalt  }
0x85: {  	_ =	shalt  }
0x86: {  	_ =	shalt  }
0x87: {  	_ =	shalt  }
.Lfunc_end0:
.L_simem_size_0:
called_computation_lowered:
.L_overlay_start_0:
0x88: {  	s2 =	sld [smem:$0x3FD9]  }
0x89: {  	s3 =	sld [smem:$0x3FFE];
	_ =	sdelay $0x1  }
0x8a: {  	s1 =	srdreg.scid  }
0x8b: {  	s0 =	sand.u32 $0x1, s1  }
0x8c: {  	s14 =	sshll.u32 s0, $0xA;
	s2 =	sadd.s32 s3, s2  }
0x8d: {  	s2 =	sadd.s32 s2, s14  }
0x8e: {  	[smem:$0x3FC7] =	sst s2  }
0x8f: {  	_ = 	snop  }
0x90: {  	s2 =	sld [smem:$0x3FD0];
	_ =	sdelay $0x2  }
0x91: {  	s15 =	simm.s32 $0xA;
	s4 =	simm.s32 $0x10  }
0x92: {  	[smem:s4], [sflag:s15] =	dma.local [hbm:s2], $0x1  }
0x93: {  	_ =	swait.eq [sflag:s15], $0x1  }
0x94: {  	s16 =	sld [smem:$0x11];
	[sflag:s15] =	ssyncset.done $0x0  }
0x95: {  	s17 =	sld [smem:$0x12];
	[sflag:s15] =	ssyncadd.s32 $0xFFFFFFFF  }
0x96: {  	s18 =	sld [smem:$0x13];
	(tm) =	ssettm $0x1  }
0x97: {  	s5 =	sld [smem:$0x3FFB];
	_ =	sdelay $0x3  }
0x98: {  	_ =	strace s5  }
0x99: {  	s5 =	sld [smem:$0x3FFC];
	_ =	sdelay $0x3  }
0x9a: {  	_ =	strace s5  }
0x9b: {  	s5 =	sld [smem:$0x3FFD];
	_ =	sdelay $0x3  }
0x9c: {  	_ =	strace s5  }
0x9d: {  	_ =	strace $0x8FFFFFFF  }
0x9e: {  	s19 =	sld [smem:$0x3FDB];
	_ =	sdelay $0x1  }
0x9f: {  	s6 =	simm.s32 $_scs_section_size  }
0xa0: {  	s7 =	simm.s32 $_size__tile_overlayer_lowered;
	s8 =	simm.s32 $_tile_overlayer_lowered  }
0xa1: {  	s22 =	simm.s32 $0x1BFF;
	s21 =	sshll.u32 s8, $0x1;
	s5 =	sadd.s32 s6, s19  }
0xa2: {  	s9 =	simm.s32 $0x0;
	s20 =	sshll.u32 s7, $0x1;
	s7 =	sadd.s32 s21, s5  }
0xa3: {  	[timem:s9], [sflag:s22] =	dma.local [hbm:s7], s20  }
0xa4: {  	_ =	swait.ge [sflag:s22], s20  }
0xa5: {  	s6 =	ssub.s32 $0x0, s20;
	[sflag:s22] =	ssyncset.done $0x0  }
0xa6: {  	[sflag:s22] =	ssyncadd.s32 s6;
	_ =	sdelay $0x1  }
0xa7: {  	s23 =	simm.s32 $0x1B8B  }
0xa8: {  	_ =	swait.ge [sflag:s23], $0x1  }
0xa9: {  	[sflag:s23] =	ssyncset.done $0x0  }
0xaa: {  	s25 =	simm.s32 $0x1B8E;
	s24 =	sld [smem:$0x3FFE];
	[sflag:s23] =	ssyncadd.s32 $0xFFFFFFFF  }
0xab: {  	s26 =	simm.s32 $execute0_lowered;
	[smem:$0x3FD2] =	sst s25  }
0xac: {  	s7 =	sshll.u32 s26, $0x1;
	_ =	strace $0x80000046;
	[dreg:$0x1] =	wrdreg $0xFFFFFFFF  }
0xad: {  	s28 =	simm.s32 $_size_execute0_lowered;
	s5 =	sadd.s32 s5, s7;
	[dreg:$0x0] =	wrdreg $0x0  }
0xae: {  	s7 =	sshll.u32 s28, $0x1;
	[dreg:$0x2] =	wrdreg s5  }
0xaf: {  	[dreg:$0x3] =	wrdreg s7  }
0xb0: {  	[dreg:$0x4] =	wrdreg $0xC0  }
0xb1: {  	_ =	task [dreg:s9], $0x5FFFF  }
0xb2: {  	[dreg:$0x1] =	wrdreg $0xFFFFFFFF  }
0xb3: {  	[dreg:$0x0] =	wrdreg $0x60  }
0xb4: {  	[dreg:$0x2] =	wrdreg s18  }
0xb5: {  	[dreg:$0x3] =	wrdreg s17  }
0xb6: {  	[dreg:$0x4] =	wrdreg s16  }
0xb7: {  	[dreg:$0x5] =	wrdreg s24  }
0xb8: {  	[dreg:$0x6] =	wrdreg $0x9  }
0xb9: {  	_ =	task.clear_ibuf [dreg:s9], $0x7FFFF;
	_ =	strace $0x90000046  }
0xba: {  	s29 =	simm.s32 $0x9;
	_ =	strace $0x80000048  }
0xbb: {  	_ =	swait.ge [sflag:s29], $0x1  }
0xbc: {  	[sflag:s29] =	ssyncadd.s32 $0xFFFFFFFF  }
0xbd: {  	_ =	strace $0x90000048  }
0xbe: {  	_ =	sfence  }
0xbf: {  	s30 =	sld [smem:$0x0];
	_ =	sdelay $0x2  }
0xc0: {  	s31 =	sshll.u32 s1, $0xD;
	s1 =	sshrl.u32 s1, $0x2  }
0xc1: {  	s3 =	sand.u32 $0x4000, s31;
	s1 =	sadd.s32 s1, s30  }
0xc2: {  	s0 =	sor.u32 s3, s0;
	s1 =	sshll.u32 s1, $0x11  }
0xc3: {  	s0 =	sor.u32 s1, s0  }
0xc4: {  	s0 =	sadd.s32 $0x8F2B, s0  }
0xc5: {  	[sflag:s0] =	ssyncadd.remote.s32 $0x1  }
0xc6: {  	_ =	sfence.sel $0xFFFF  }
0xc7: {  	[dreg:$0x0] =	wrdreg $0xFFFFFFFF;
	(pc) =	sbr.abs _section_cstart, $3  }
0xc8: {  	[dreg:$0x1] =	wrdreg $0xFFFFFFFF  }
0xc9: {  	_ =	task.clear_ibuf [dreg:s9], $0x2FFFF;
	_ =	strace $0x9FFFFFFF  }
0xca: {  	(tm) =	ssettm $0x7FFFFFFF  }
0xcb: {  	_ =	shalt  }
tec
execute0_lowered:
.L_overlay_start_1:
0x0: {  	(tag) =	ssettag $0x1  }
0x1: {  	s3 =	rddreg [dreg:$0x0]  }
0x2: {  	s4 =	rddreg [dreg:$0x1]  }
0x3: {  	s5 =	rddreg [dreg:$0x2]  }
0x4: {  	s6 =	rddreg [dreg:$0x3]  }
0x5: {  	s0 =	rddreg [dreg:$0x4];
	s7 =	srdreg.scid  }
0x6: {  	s2 =	simm.s32 $0x0;
	s1 =	stileid.u32;
	s11 =	simm.s32 $0x800  }
0x7: {  	s12 =	simm.s32 $0xC00;
	s13 =	simm.s32 $0x1000;
	s7 =	sand.u32 $0x1, s7  }
0x8: {  	s14 =	simm.s32 $0x0;
	s8 =	sshll.u32 s1, $0x8;
	s9 =	sshll.u32 s7, $0x7  }
0x9: {  	[smem:$0x7FF] =	sst s2;
	s7 =	ssub.s32 $0x2, s7;
	s8 =	sor.u32 s9, s8  }
0xa: {  	_ =	strace $0x80000047;
	s31 =	sshrl.u32 s7, $0x1;
	s10 =	sadd.s32 s8, s6  }
0xb: {  	s9 =	ssub.s32 s7, s31;
	s3 =	sadd.s32 s3, s8;
	s4 =	sadd.s32 s4, s8  }
0xc: {  	s5 =	sadd.s32 s5, s8;
	s6 =	sadd.s32 $0x1000, s10;
	s7 =	sadd.s32 $0x2000, s10  }
0xd: {  	s8 =	smax.u32 s9, $0x1;
	s9 =	simm.s32 $0x1;
	s10 =	simm.s32 $0x400  }
.LBB2_1:
0xe: {  	[tilespmem:s2], [sflag:$0x1] =	stream.linear.gather [hbm4b:s3+s2], $0x400, $0x38;
	[tilespmem:$0x1400] =	vst v63  }
0xf: {  	_ =	swait.ge [sflag:s9], $0x400  }
0x10: {  	[sflag:s9] =	ssyncset.done $0x0  }
0x11: {  	s15 =	simm.s32 $0x0;
	[sflag:s9] =	ssyncadd.s32 $0xFFFFFC00  }
0x12: {  	v0 =	vld [tilespmem:s15+$0x0];
	_ =	sdelay $0x4  }
0x13: {  	v1 =	vmul.u32 $0x7, v0  }
0x14: {  	v2 =	vmul.u32 $0x3, v0;
	v3 =	vmul.u32 $0x5, v0  }
0x15: {  	v5 =	vcvt.s32.f32 v0;
	v4 =	vcvt.s32.f32 v1  }
0x16: {  	v6 =	vcvt.s32.f32 v2;
	v7 =	vcvt.s32.f32 v3  }
0x17: {  	s16 =	simm.s32 $0x10;
	v5 =	vmul.f32 $1.724188110e-06, v5;
	v4 =	vmul.f32 $2.410160780e-05, v4  }
0x18: {  	v9 =	vld [tilespmem:s16+$0x0];
	v6 =	vmul.f32 $1.063832880e-06, v6;
	v7 =	vmul.f32 $1.492561520e-06, v7  }
0x19: {  	v5 =	vtrunc.f32 v5;
	v4 =	vtrunc.f32 v4  }
0x1a: {  	v6 =	vtrunc.f32 v6;
	v4 =	vcvt.f32.s32 v4  }
0x1b: {  	v7 =	vtrunc.f32 v7;
	v6 =	vcvt.f32.s32 v6  }
0x1c: {  	v5 =	vcvt.f32.s32 v5;
	v7 =	vcvt.f32.s32 v7;
	v4 =	vmul.u32 $0xFFFF5DED, v4  }
0x1d: {  	v8 =	vmul.u32 $0x7, v9;
	v11 =	vcvt.s32.f32 v9;
	v6 =	vmul.u32 $0xFFF1A823, v6  }
0x1e: {  	v5 =	vmul.u32 $0xFFF72671, v5;
	v1 =	vadd.s32 v1, v4;
	v4 =	vmul.u32 $0xFFF5C6DB, v7  }
0x1f: {  	v2 =	vadd.s32 v2, v6;
	vm0 =	vgt.s32 v1, $0xA212;
	v7 =	vadd.s32 $0xFFFF5DED, v1  }
0x20: {  	v0 =	vadd.s32 v0, v5;
	v5 =	vadd.s32 $0xFFF1A823, v2;
	v1 =	vsel vm0, v7, v1  }
0x21: {  	v3 =	vadd.s32 v3, v4;
	vm0 =	vgt.s32 v2, $0xE57DC;
	v4 =	vcvt.s32.f32 v1  }
0x22: {  	v14 =	vcvt.s32.f32 v8;
	v11 =	vmul.f32 $1.724188110e-06, v11;
	v2 =	vsel vm0, v5, v2  }
0x23: {  	vm1 =	vgt.s32 v0, $0x8D98E;
	v7 =	vcvt.s32.f32 v2;
	v4 =	vmul.f32 $1.999999400e-03, v4  }
0x24: {  	vm2 =	vgt.s32 v3, $0xA3924;
	v6 =	vadd.s32 $0xFFF5C6DB, v3;
	v5 =	vadd.s32 $0xFFF72671, v0  }
0x25: {  	v3 =	vsel vm2, v6, v3;
	v7 =	vmul.f32 $4.999998780e-05, v7;
	v4 =	vtrunc.f32 v4  }
0x26: {  	v0 =	vsel vm1, v5, v0;
	v5 =	vcvt.s32.f32 v3;
	v4 =	vcvt.f32.s32 v4  }
0x27: {  	v10 =	vmul.u32 $0x3, v9;
	v6 =	vcvt.s32.f32 v0;
	v7 =	vtrunc.f32 v7  }
0x28: {  	v5 =	vmul.f32 $9.999997560e-05, v5;
	v7 =	vcvt.f32.s32 v7;
	v4 =	vmul.u32 $0xFFFFFE0C, v4  }
0x29: {  	v12 =	vmul.u32 $0x5, v9;
	v11 =	vtrunc.f32 v11;
	v6 =	vmul.f32 $4.999998780e-05, v6  }
0x2a: {  	v5 =	vtrunc.f32 v5;
	v7 =	vmul.u32 $0xFFFFB1E0, v7;
	v1 =	vadd.s32 v1, v4  }
0x2b: {  	v4 =	vcvt.f32.s32 v5;
	vm0 =	vgt.s32 v1, $0x1F3;
	v5 =	vadd.s32 $0xFFFFFE0C, v1  }
0x2c: {  	v6 =	vtrunc.f32 v6;
	v13 =	vsel vm0, v5, v1;
	v5 =	vcvt.s32.f32 v10  }
0x2d: {  	v1 =	vadd.s32 v2, v7;
	v2 =	vcvt.s32.f32 v12;
	v7 =	vmul.f32 $2.410160780e-05, v14  }
0x2e: {  	v6 =	vcvt.f32.s32 v6;
	v5 =	vmul.f32 $1.063832880e-06, v5  }
0x2f: {  	v4 =	vmul.u32 $0xFFFFD8F0, v4;
	v14 =	vmul.f32 $1.492561520e-06, v2;
	v7 =	vtrunc.f32 v7  }
0x30: {  	v6 =	vmul.u32 $0xFFFFB1E0, v6;
	vm0 =	vgt.s32 v1, $0x4E1F;
	v7 =	vcvt.f32.s32 v7  }
0x31: {  	v2 =	vadd.s32 v3, v4;
	v5 =	vtrunc.f32 v5;
	v4 =	vtrunc.f32 v14  }
0x32: {  	v3 =	vadd.s32 v0, v6;
	v0 =	vcvt.f32.s32 v5;
	v4 =	vcvt.f32.s32 v4  }
0x33: {  	v6 =	vadd.s32 $0xFFFFB1E0, v1;
	v5 =	vcvt.f32.s32 v11;
	v7 =	vmul.u32 $0xFFFF5DED, v7  }
0x34: {  	vm1 =	vgt.s32 v2, $0x270F;
	v0 =	vmul.u32 $0xFFF1A823, v0;
	v4 =	vmul.u32 $0xFFF5C6DB, v4  }
0x35: {  	v5 =	vmul.u32 $0xFFF72671, v5;
	v7 =	vadd.s32 v8, v7;
	v8 =	vadd.s32 $0xFFFFD8F0, v2  }
0x36: {  	vm2 =	vgt.s32 v7, $0xA212;
	v0 =	vadd.s32 v10, v0;
	v10 =	vadd.s32 $0xFFFF5DED, v7  }
0x37: {  	v9 =	vadd.s32 v9, v5;
	v4 =	vadd.s32 v12, v4;
	v7 =	vsel vm2, v10, v7  }
0x38: {  	vm2 =	vgt.s32 v0, $0xE57DC;
	v5 =	vadd.s32 $0xFFF1A823, v0;
	v10 =	vcvt.s32.f32 v7  }
0x39: {  	vm3 =	vgt.s32 v9, $0x8D98E;
	vm4 =	vgt.s32 v4, $0xA3924;
	v11 =	vadd.s32 $0xFFF5C6DB, v4  }
0x3a: {  	v5 =	vsel vm2, v5, v0;
	v0 =	vadd.s32 $0xFFF72671, v9;
	v10 =	vmul.f32 $1.999999400e-03, v10  }
0x3b: {  	v4 =	vsel vm4, v11, v4;
	v0 =	vsel vm3, v0, v9;
	v9 =	vcvt.s32.f32 v5  }
0x3c: {  	vm2 =	vgt.s32 v3, $0x4E1F;
	v11 =	vcvt.s32.f32 v4;
	v10 =	vtrunc.f32 v10  }
0x3d: {  	s17 =	simm.s32 $0x20;
	s18 =	simm.s32 $0xC0;
	[tilespmem:s15+$0x1000] =	vst v13;
	v12 =	vcvt.s32.f32 v0;
	v13 =	vcvt.f32.s32 v10;
	v10 =	vadd.s32 $0xFFFFB1E0, v3  }
.LBB2_2:
0x3e: {  	p0 =	sne.s32 s18, $0xFC0;
	v14 =	vld [tilespmem:s17+$0x0];
	v9 =	vmul.f32 $4.999998780e-05, v9;
	v11 =	vmul.f32 $9.999997560e-05, v11;
	v1 =	vsel vm0, v6, v1  }
0x3f: {  	v6 =	vmul.f32 $4.999998780e-05, v12;
	v12 =	vmul.u32 $0xFFFFFE0C, v13;
	[tilespmem:s15+$0x800] =	vst v1;
	v1 =	vsel vm1, v8, v2  }
0x40: {  	v3 =	vsel vm2, v10, v3;
	v2 =	vtrunc.f32 v9;
	v8 =	vtrunc.f32 v11;
	[tilespmem:s15+$0xC00] =	vst v1  }
0x41: {  	v1 =	vtrunc.f32 v6;
	v2 =	vcvt.f32.s32 v2;
	v6 =	vadd.s32 v7, v12;
	[tilespmem:s15+$0x400] =	vst v3;
	s15 =	smov.u32 s16;
	s16 =	smov.u32 s17  }
0x42: {  	v3 =	vcvt.f32.s32 v8;
	vm0 =	vgt.s32 v6, $0x1F3;
	v7 =	vadd.s32 $0xFFFFFE0C, v6  }
0x43: {  	v9 =	vmul.u32 $0x3, v14;
	v8 =	vmul.u32 $0x7, v14;
	v6 =	vsel vm0, v7, v6  }
0x44: {  	v1 =	vcvt.f32.s32 v1;
	v7 =	vcvt.s32.f32 v14;
	v10 =	vmul.u32 $0x5, v14;
	[tilespmem:s15+$0x1000] =	vst v6  }
0x45: {  	v2 =	vmul.u32 $0xFFFFB1E0, v2;
	v6 =	vcvt.s32.f32 v9;
	v11 =	vcvt.s32.f32 v8  }
0x46: {  	v3 =	vmul.u32 $0xFFFFD8F0, v3;
	v7 =	vmul.f32 $1.724188110e-06, v7;
	v12 =	vcvt.s32.f32 v10  }
0x47: {  	v13 =	vmul.u32 $0xFFFFB1E0, v1;
	v6 =	vmul.f32 $1.063832880e-06, v6;
	v11 =	vmul.f32 $2.410160780e-05, v11  }
0x48: {  	v1 =	vadd.s32 v5, v2;
	v7 =	vtrunc.f32 v7;
	v12 =	vmul.f32 $1.492561520e-06, v12  }
0x49: {  	v2 =	vadd.s32 v4, v3;
	v5 =	vtrunc.f32 v6;
	v6 =	vtrunc.f32 v11  }
0x4a: {  	v3 =	vadd.s32 v0, v13;
	v4 =	vtrunc.f32 v12;
	v6 =	vcvt.f32.s32 v6  }
0x4b: {  	vm0 =	vgt.s32 v1, $0x4E1F;
	v0 =	vcvt.f32.s32 v5;
	v4 =	vcvt.f32.s32 v4  }
0x4c: {  	v5 =	vcvt.f32.s32 v7;
	v7 =	vmul.u32 $0xFFFF5DED, v6;
	v6 =	vadd.s32 $0xFFFFB1E0, v1  }
0x4d: {  	vm1 =	vgt.s32 v2, $0x270F;
	v0 =	vmul.u32 $0xFFF1A823, v0;
	v4 =	vmul.u32 $0xFFF5C6DB, v4  }
0x4e: {  	v5 =	vmul.u32 $0xFFF72671, v5;
	v7 =	vadd.s32 v8, v7;
	v8 =	vadd.s32 $0xFFFFD8F0, v2  }
0x4f: {  	v0 =	vadd.s32 v9, v0;
	vm2 =	vgt.s32 v7, $0xA212;
	v9 =	vadd.s32 $0xFFFF5DED, v7  }
0x50: {  	v11 =	vadd.s32 v14, v5;
	v4 =	vadd.s32 v10, v4;
	v7 =	vsel vm2, v9, v7  }
0x51: {  	v5 =	vadd.s32 $0xFFF1A823, v0;
	vm2 =	vgt.s32 v0, $0xE57DC;
	v9 =	vcvt.s32.f32 v7  }
.Ltmp0:
0x52: {  	vm3 =	vgt.s32 v11, $0x8D98E;
	vm4 =	vgt.s32 v4, $0xA3924;
	v10 =	vadd.s32 $0xFFF5C6DB, v4;
	(pc) =	sbr.rel @p0 .LBB2_2-.Ltmp0, $4  }
0x53: {  	v12 =	vadd.s32 $0xFFF72671, v11;
	v5 =	vsel vm2, v5, v0;
	v13 =	vmul.f32 $1.999999400e-03, v9  }
0x54: {  	v4 =	vsel vm4, v10, v4;
	v0 =	vsel vm3, v12, v11;
	v9 =	vcvt.s32.f32 v5  }
0x55: {  	v11 =	vcvt.s32.f32 v4;
	vm2 =	vgt.s32 v3, $0x4E1F;
	v10 =	vtrunc.f32 v13  }
0x56: {  	s17 =	sshra.s32 s18, $0x2;
	s18 =	sadd.s32 $0x40, s18;
	v12 =	vcvt.s32.f32 v0;
	v13 =	vcvt.f32.s32 v10;
	v10 =	vadd.s32 $0xFFFFB1E0, v3  }
0x57: {  	v14 =	vld [tilespmem:s17+$0x0];
	v9 =	vmul.f32 $4.999998780e-05, v9  }
0x58: {  	v11 =	vmul.f32 $9.999997560e-05, v11;
	v1 =	vsel vm0, v6, v1;
	v28 =	vmul.f32 $4.999998780e-05, v12  }
0x59: {  	v2 =	vsel vm1, v8, v2;
	v29 =	vmul.u32 $0xFFFFFE0C, v13;
	v30 =	vtrunc.f32 v9  }
0x5a: {  	v3 =	vsel vm2, v10, v3;
	v31 =	vtrunc.f32 v11;
	v6 =	vtrunc.f32 v28  }
0x5b: {  	v8 =	vcvt.f32.s32 v30;
	v7 =	vadd.s32 v7, v29;
	v9 =	vcvt.f32.s32 v31  }
0x5c: {  	vm5 =	vgt.s32 v7, $0x1F3;
	v33 =	vmul.u32 $0x7, v14;
	v34 =	vmul.u32 $0x3, v14  }
0x5d: {  	v6 =	vcvt.f32.s32 v6;
	v35 =	vcvt.s32.f32 v14;
	v15 =	vmul.u32 $0x5, v14  }
0x5e: {  	v32 =	vadd.s32 $0xFFFFFE0C, v7;
	v16 =	vcvt.s32.f32 v33;
	v36 =	vcvt.s32.f32 v34  }
0x5f: {  	v8 =	vmul.u32 $0xFFFFB1E0, v8;
	v13 =	vmul.f32 $1.724188110e-06, v35;
	v37 =	vcvt.s32.f32 v15  }
0x60: {  	v9 =	vmul.u32 $0xFFFFD8F0, v9;
	v16 =	vmul.f32 $2.410160780e-05, v16;
	v10 =	vmul.f32 $1.063832880e-06, v36  }
0x61: {  	v5 =	vadd.s32 v5, v8;
	v13 =	vtrunc.f32 v13;
	v8 =	vmul.f32 $1.492561520e-06, v37  }
0x62: {  	v6 =	vmul.u32 $0xFFFFB1E0, v6;
	v41 =	vcvt.f32.s32 v13;
	v16 =	vtrunc.f32 v16  }
0x63: {  	v4 =	vadd.s32 v4, v9;
	v38 =	vtrunc.f32 v10;
	v8 =	vtrunc.f32 v8  }
0x64: {  	v39 =	vcvt.f32.s32 v16;
	v40 =	vcvt.f32.s32 v38;
	v9 =	vmul.u32 $0xFFF72671, v41  }
0x65: {  	v7 =	vsel vm5, v32, v7;
	v0 =	vadd.s32 v0, v6;
	v8 =	vcvt.f32.s32 v8  }
0x66: {  	v10 =	vmul.u32 $0xFFFF5DED, v39;
	v6 =	vmul.u32 $0xFFF1A823, v40;
	v9 =	vadd.s32 v14, v9  }
0x67: {  	vm6 =	vgt.s32 v5, $0x4E1F;
	v8 =	vmul.u32 $0xFFF5C6DB, v8;
	vm9 =	vgt.s32 v9, $0x8D98E  }
0x68: {  	v14 =	vadd.s32 $0xFFF72671, v9;
	v10 =	vadd.s32 v33, v10;
	v6 =	vadd.s32 v34, v6  }
0x69: {  	v8 =	vadd.s32 v15, v8;
	v9 =	vsel vm9, v14, v9;
	vm7 =	vgt.s32 v10, $0xA212  }
0x6a: {  	v11 =	vadd.s32 $0xFFFF5DED, v10;
	vm8 =	vgt.s32 v6, $0xE57DC;
	v43 =	vadd.s32 $0xFFF1A823, v6  }
0x6b: {  	vm3 =	vgt.s32 v8, $0xA3924;
	v47 =	vcvt.s32.f32 v9;
	v10 =	vsel vm7, v11, v10  }
0x6c: {  	v45 =	vadd.s32 $0xFFF5C6DB, v8;
	v6 =	vsel vm8, v43, v6;
	v44 =	vcvt.s32.f32 v10  }
0x6d: {  	v8 =	vsel vm3, v45, v8;
	v46 =	vcvt.s32.f32 v6;
	v15 =	vmul.f32 $4.999998780e-05, v47  }
0x6e: {  	v42 =	vadd.s32 $0xFFFFB1E0, v5;
	v11 =	vcvt.s32.f32 v8;
	v12 =	vmul.f32 $1.999999400e-03, v44  }
0x6f: {  	vm10 =	vgt.s32 v4, $0x270F;
	v14 =	vmul.f32 $4.999998780e-05, v46;
	v15 =	vtrunc.f32 v15  }
0x70: {  	v48 =	vadd.s32 $0xFFFFD8F0, v4;
	v11 =	vmul.f32 $9.999997560e-05, v11;
	v53 =	vcvt.f32.s32 v15  }
0x71: {  	v5 =	vsel vm6, v42, v5;
	v12 =	vtrunc.f32 v12;
	v14 =	vtrunc.f32 v14  }
0x72: {  	[tilespmem:s15+$0x800] =	vst v1;
	vm11 =	vgt.s32 v0, $0x4E1F;
	v11 =	vtrunc.f32 v11;
	v12 =	vcvt.f32.s32 v12  }
0x73: {  	[tilespmem:s15+$0xC00] =	vst v2;
	v51 =	vcvt.f32.s32 v14;
	v11 =	vcvt.f32.s32 v11;
	v1 =	vmul.u32 $0xFFFFB1E0, v53  }
0x74: {  	[tilespmem:s15+$0x400] =	vst v3;
	v49 =	vadd.s32 $0xFFFFB1E0, v0;
	v52 =	vsel vm10, v48, v4;
	v50 =	vmul.u32 $0xFFFFFE0C, v12  }
0x75: {  	[tilespmem:s16+$0x1000] =	vst v7;
	v54 =	vmul.u32 $0xFFFFB1E0, v51;
	v55 =	vmul.u32 $0xFFFFD8F0, v11;
	v59 =	vadd.s32 v9, v1  }
0x76: {  	v0 =	vsel vm11, v49, v0;
	[tilespmem:s16+$0x800] =	vst v5;
	vm15 =	vgt.s32 v59, $0x4E1F;
	v62 =	vadd.s32 $0xFFFFB1E0, v59  }
0x77: {  	[tilespmem:s16+$0xC00] =	vst v52;
	v2 =	vadd.s32 v10, v50;
	v57 =	vadd.s32 v6, v54;
	v58 =	vadd.s32 v8, v55  }
0x78: {  	[tilespmem:s16+$0x400] =	vst v0;
	v0 =	vsel vm15, v62, v59;
	vm12 =	vgt.s32 v2, $0x1F3;
	v56 =	vadd.s32 $0xFFFFFE0C, v2  }
0x79: {  	vm13 =	vgt.s32 v57, $0x4E1F;
	v60 =	vadd.s32 $0xFFFFB1E0, v57;
	[tilespmem:s17+$0x400] =	vst v0;
	v2 =	vsel vm12, v56, v2  }
0x7a: {  	vm14 =	vgt.s32 v58, $0x270F;
	v61 =	vadd.s32 $0xFFFFD8F0, v58;
	v1 =	vsel vm13, v60, v57;
	[tilespmem:s17+$0x1000] =	vst v2  }
0x7b: {  	v63 =	vsel vm14, v61, v58;
	[tilespmem:s17+$0x800] =	vst v1  }
0x7c: {  	[tilespmem:s17+$0xC00] =	vst v63  }
0x7d: {  	[hbm4b:s4+s2] =	stream.linear.scatter [tilespmem:s10], [sflag:$0x1], $0x400, $0x38;
	[tilespmem:$0x1400] =	vst v63  }
0x7e: {  	_ =	swait.ge [sflag:s9], $0x400  }
0x7f: {  	[sflag:s9] =	ssyncset.done $0x0  }
0x80: {  	[sflag:s9] =	ssyncadd.s32 $0xFFFFFC00  }
0x81: {  	[hbm4b:s5+s2] =	stream.linear.scatter [tilespmem:s11], [sflag:$0x1], $0x400, $0x38;
	[tilespmem:$0x1400] =	vst v63  }
0x82: {  	_ =	swait.ge [sflag:s9], $0x400  }
0x83: {  	[sflag:s9] =	ssyncset.done $0x0  }
0x84: {  	[sflag:s9] =	ssyncadd.s32 $0xFFFFFC00  }
0x85: {  	[hbm4b:s6+s2] =	stream.linear.scatter [tilespmem:s12], [sflag:$0x1], $0x400, $0x38;
	[tilespmem:$0x1400] =	vst v63  }
0x86: {  	s14 =	sadd.s32 $0x1, s14;
	_ =	swait.ge [sflag:s9], $0x400  }
0x87: {  	p0 =	sne.s32 s14, s8;
	[sflag:s9] =	ssyncset.done $0x0  }
.Ltmp1:
0x88: {  	[sflag:s9] =	ssyncadd.s32 $0xFFFFFC00;
	(pc) =	sbr.rel @p0 .LBB2_1-.Ltmp1, $4  }
0x89: {  	[hbm4b:s7+s2] =	stream.linear.scatter [tilespmem:s13], [sflag:$0x1], $0x400, $0x38;
	[tilespmem:$0x1400] =	vst v63  }
0x8a: {  	_ =	swait.ge [sflag:s9], $0x400  }
0x8b: {  	[sflag:s9] =	ssyncset.done $0x0  }
0x8c: {  	[sflag:s9] =	ssyncadd.s32 $0xFFFFFC00  }
0x8d: {  	_ =	sfence.sel $0x180000  }
0x8e: {  	[bflag:$0x0] =	sbarrier.arrive $0xFFFF  }
0x8f: {  	p0 =	sne.s32 s1, $0x0;
	_ =	strace $0x90000047  }
0x90: {  	s0 =	sadd.s32 @!p0 $0x100000, s0;
	[bflag:$0x2] =	sbarrier.arrive $0xFFFF  }
0x91: {  	[sflag:s0] =	ssyncadd.tile.s32 @!p0 $0x1;
	_ =	shalt  }
.Lfunc_end2:
_tile_overlayer_lowered:
.L_overlay_start_2:
0x92: {  	(tag) =	ssettag $0x2  }
0x93: {  	s0 =	rddreg [dreg:$0x0];
	s2 =	stileid.u32  }
0x94: {  	s1 =	rddreg [dreg:$0x1];
	p0 =	sne.s32 s2, $0x0  }
0x95: {  	s3 =	rddreg [dreg:$0x2];
	[bflag:$0x3] =	sbarrier.arrive $0xFFFF;
	s2 =	simm.s32 @!p0 $0x1C01  }
0x96: {  	[timem:s3], [sflag:s2] =	dma.local @!p0 [hbm:s0], s1  }
0x97: {  	s0 =	simm.s32 @!p0 $0x1  }
0x98: {  	_ =	swait.ge @!p0 [sflag:s0], s1  }
0x99: {  	s1 =	ssub.s32 @!p0 $0x0, s1;
	[sflag:s0] =	ssyncset.done @!p0 $0x0  }
0x9a: {  	[sflag:s0] =	ssyncadd.s32 @!p0 s1  }
0x9b: {  	[bflag:$0x3] =	sbarrier.arrive $0xFFFF  }
0x9c: {  	_ =	shalt  }

</sc_bundles>
